<compile_context>
chip_gen: v7x
topology: tpu7x:2x2x1
jax: 0.10.2.dev20260603
libtpu: 0.0.44.dev20260713+nightly
codegen_flags: <defaults>
</compile_context>

<pallas_src>
import functools

import jax
import jax.numpy as jnp
from jax import lax
from jax.experimental import pallas as pl
from jax.experimental.pallas import tpu as pltpu
from jax.experimental.pallas import tpu_sc as plsc

B, F, T = 4, 256, 196
K = 512
TPAD = 224
BT = B * TPAD
NC, NS = 1, 16
NW = NC * NS
ROWS_PER_W = BT // NW


def _scores_body(x_ref, emb_ref, idx_ref, loss_ref):
    emb = emb_ref[...]
    csq = jnp.sum(emb * emb, axis=1, keepdims=True)
    loss_acc = jnp.float32(0.0)
    tio = lax.broadcasted_iota(jnp.int32, (1, TPAD), 1)
    valid = tio < T
    for b in range(B):
        xb = x_ref[b]
        xbp = jnp.concatenate(
            [xb, jnp.zeros((F, TPAD - T), jnp.float32)], axis=1)
        s = jnp.dot(emb, xbp, preferred_element_type=jnp.float32,
                    precision=lax.Precision.HIGHEST)
        m = csq - 2.0 * s
        mn = jnp.min(m, axis=0, keepdims=True)
        kio = lax.broadcasted_iota(jnp.int32, m.shape, 0)
        idx = jnp.min(jnp.where(m == mn, kio, K), axis=0, keepdims=True)
        xsq = jnp.sum(xbp * xbp, axis=0, keepdims=True)
        loss_acc += jnp.sum(jnp.where(valid, xsq + mn, 0.0))
        idx_ref[pl.ds(b * TPAD, TPAD)] = idx[0]
    loss_ref[0, 0] = loss_acc * (1.0 / (F * B * T))


_scores = pl.pallas_call(
    _scores_body,
    out_shape=(
        jax.ShapeDtypeStruct((BT,), jnp.int32),
        jax.ShapeDtypeStruct((1, 1), jnp.float32),
    ),
    in_specs=[
        pl.BlockSpec(memory_space=pltpu.VMEM),
        pl.BlockSpec(memory_space=pltpu.VMEM),
    ],
    out_specs=(
        pl.BlockSpec(memory_space=pltpu.VMEM),
        pl.BlockSpec(memory_space=pltpu.SMEM),
    ),
)


@functools.cache
def _make_gather():
    mesh = plsc.VectorSubcoreMesh(
        core_axis_name="c", subcore_axis_name="s", num_cores=NC)

    @functools.partial(
        pl.kernel,
        mesh=mesh,
        out_type=jax.ShapeDtypeStruct((B, T, F), jnp.float32),
        scratch_types=[
            pltpu.VMEM((ROWS_PER_W,), jnp.int32),
            pltpu.VMEM((ROWS_PER_W, F), jnp.float32),
            pltpu.SemaphoreType.DMA,
        ],
    )
    def _gather(table_hbm, idx_hbm, out_hbm, idx_v, rows_v, sem):
        wid = lax.axis_index("s") * NC + lax.axis_index("c")
        base = wid * ROWS_PER_W
        pltpu.sync_copy(idx_hbm.at[pl.ds(base, ROWS_PER_W)], idx_v)
        pltpu.async_copy(table_hbm.at[idx_v], rows_v, sem).wait()
        b = wid // 4
        q = wid % 4
        t0 = q * ROWS_PER_W
        pltpu.sync_copy(rows_v.at[pl.ds(0, 24)],
                        out_hbm.at[b, pl.ds(t0, 24)])

        @pl.when(q < 3)
        def _():
            pltpu.sync_copy(rows_v.at[pl.ds(24, 32)],
                            out_hbm.at[b, pl.ds(t0 + 24, 32)])

        @pl.when(q == 3)
        def _():
            pltpu.sync_copy(rows_v.at[pl.ds(24, 4)],
                            out_hbm.at[b, pl.ds(192, 4)])

    return _gather


def kernel(x, emb_weight):
    idx, loss = _scores(x, emb_weight)
    rows = _make_gather()(emb_weight, idx)
    out = rows.transpose(0, 2, 1)
    l = loss[0, 0]
    return (out, l, l)

# --- scband reference (transcript-rebuilt; emitter-appended) ---
"""Pipeline reference for scband-vqlayer-sg-9947144257864 (READ-ONLY COPY).

The authoritative reference and input builder live on the scoring server;
editing this copy changes nothing except your own understanding.
"""

import jax, jax.numpy as jnp
import numpy as np


def setup_inputs(seed: int = 0) -> dict:
    key = jax.random.key(seed)
    k1, k2 = jax.random.split(key)
    x = jax.random.normal(k1, (4, 256, 196), dtype=jnp.float32)
    emb_weight = jax.random.normal(k2, (512, 256), dtype=jnp.float32)
    return {"x": x, "emb_weight": emb_weight}


def reference(x, emb_weight):
    # x: [B, F, T] -> transpose to [B, T, F]
    xt = jnp.swapaxes(x, -1, -2)
    x4 = xt[..., None]  # [B, T, F, 1]
    centers = jnp.swapaxes(emb_weight, 1, 0)  # [F, K]
    centers4 = centers[None, None, :, :]  # [1, 1, F, K]
    # dist with detached centers
    dist = jnp.mean((x4 - jax.lax.stop_gradient(centers4)) ** 2, axis=-2)  # [B, T, K]
    dmin = jnp.min(dist, axis=-1)
    idxs = jnp.argmin(dist, axis=-1)
    loss1 = jnp.mean(dmin)
    # dist with detached x, live centers
    dist2 = jnp.mean((jax.lax.stop_gradient(x4) - centers4) ** 2, axis=-2)  # [B, T, K]
    loss2 = jnp.mean(jnp.min(dist2, axis=-1))
    idxs_flat = idxs.reshape(-1)
    out = jnp.take(jax.lax.stop_gradient(emb_weight), idxs_flat, axis=0)  # [B*T, F]
    out = out.reshape(idxs.shape + (emb_weight.shape[-1],))  # [B, T, F]
    out = jnp.swapaxes(out, -1, -2)  # [B, F, T]
    return (out, loss1, loss2)

if __name__ == "__main__":
    import jax
    _d = setup_inputs()
    print(jax.jit(kernel)(*tuple(_d.values())))

</pallas_src>

<mosaic_0001>
#map = affine_map<(d0, d1) -> (0, 0)>
#map1 = affine_map<(d0, d1) -> (0)>
#map2 = affine_map<(d0, d1) -> (0, 0, 0)>
module attributes {stable_mosaic.version = 14 : i64} {
  func.func @_gather(%arg0: i32, %arg1: i32, %arg2: memref<512x256xf32, #tpu.memory_space<hbm>>, %arg3: memref<896xi32, #tpu.memory_space<hbm>>, %arg4: memref<4x196x256xf32, #tpu.memory_space<hbm>>, %arg5: memref<56xi32, #tpu.memory_space<vmem>>, %arg6: memref<56x256xf32, #tpu.memory_space<vmem>>, %arg7: memref<!tpu.dma_semaphore, #tpu.memory_space<semaphore_mem>>) attributes {dimension_semantics = [#tpu.dimension_semantics<core_parallel>, #tpu.dimension_semantics<subcore_parallel>], iteration_bounds = array<i64: 1, 16>, scalar_prefetch = 0 : i64, scratch_operands = 3 : i64, tpu.core_type = #tpu.core_type<sc_vector_subcore>, window_params = [{transform_indices = #map}, {transform_indices = #map1}, {transform_indices = #map2}]} {
    %mul3A = arith.constant 1 : i32
    %mul3A_0 = arith.muli %arg1, %mul3A : i32
    %add3A = arith.addi %mul3A_0, %arg0 : i32
    %mul3A_1 = arith.constant 56 : i32
    %mul3A_2 = arith.muli %add3A, %mul3A_1 : i32
    "tpu.region"() ({
      %run_scoped3A = tpu.sem_alloc : memref<!tpu.dma_semaphore, #tpu.memory_space<semaphore_mem>>
      %dma_start3A_47 = tpu.memref_slice %arg3[%mul3A_2] : memref<896xi32, #tpu.memory_space<hbm>> -> memref<56xi32, #tpu.memory_space<hbm>>
      %dma_start3A_48 = tpu.memref_slice %arg3[%mul3A_2] : memref<896xi32, #tpu.memory_space<hbm>> -> memref<56xi32, #tpu.memory_space<hbm>>
      tpu.enqueue_dma source(%dma_start3A_48 : memref<56xi32, #tpu.memory_space<hbm>>) target(%arg5 : memref<56xi32, #tpu.memory_space<vmem>>) target_semaphore(%run_scoped3A : memref<!tpu.dma_semaphore, #tpu.memory_space<semaphore_mem>>)
      %dma_wait3A_49 = tpu.memref_slice %arg3[%mul3A_2] : memref<896xi32, #tpu.memory_space<hbm>> -> memref<56xi32, #tpu.memory_space<hbm>>
      %dma_wait3A_50 = tpu.memref_slice %arg3[%mul3A_2] : memref<896xi32, #tpu.memory_space<hbm>> -> memref<56xi32, #tpu.memory_space<hbm>>
      tpu.wait_dma2 semaphore(%run_scoped3A : memref<!tpu.dma_semaphore, #tpu.memory_space<semaphore_mem>>) src(%dma_wait3A_50 : memref<56xi32, #tpu.memory_space<hbm>>) dst(%arg5 : memref<56xi32, #tpu.memory_space<vmem>>)
      tpu.yield
    }) : () -> ()
    %dma_start3A = arith.constant 0 : i32
    %dma_start3A_3 = arith.constant 0 : i32
    %dma_start3A_4 = tpu.memref_slice %arg2[%dma_start3A, %dma_start3A_3] : memref<512x256xf32, #tpu.memory_space<hbm>> -> memref<512x256xf32, #tpu.memory_space<hbm>>
    tpu.enqueue_indirect_dma source(%dma_start3A_4 : memref<512x256xf32, #tpu.memory_space<hbm>>) target(%arg6 : memref<56x256xf32, #tpu.memory_space<vmem>>) offsets(%arg5 : memref<56xi32, #tpu.memory_space<vmem>>) semaphore(%arg7 : memref<!tpu.dma_semaphore, #tpu.memory_space<semaphore_mem>>)
    %dma_wait3A = arith.constant 0 : i32
    %dma_wait3A_5 = arith.constant 0 : i32
    %dma_wait3A_6 = tpu.memref_slice %arg2[%dma_wait3A, %dma_wait3A_5] : memref<512x256xf32, #tpu.memory_space<hbm>> -> memref<512x256xf32, #tpu.memory_space<hbm>>
    tpu.wait_indirect_dma semaphore(%arg7 : memref<!tpu.dma_semaphore, #tpu.memory_space<semaphore_mem>>) src(%dma_wait3A_6 : memref<512x256xf32, #tpu.memory_space<hbm>>) dst(%arg6 : memref<56x256xf32, #tpu.memory_space<vmem>>)
    %jit3A = arith.constant 4 : i32
    %div3A = arith.divsi %add3A, %jit3A : i32
    %sign3A = arith.constant 0 : i32
    %sign3A_7 = arith.cmpi sgt, %add3A, %sign3A : i32
    %sign3A_8 = arith.extui %sign3A_7 : i1 to i32
    %sign3A_9 = arith.constant 0 : i32
    %sign3A_10 = arith.cmpi slt, %add3A, %sign3A_9 : i32
    %sign3A_11 = arith.extui %sign3A_10 : i1 to i32
    %sign3A_12 = arith.subi %sign3A_8, %sign3A_11 : i32
    %sign3A_13 = arith.constant 0 : i32
    %sign3A_14 = arith.cmpi sgt, %jit3A, %sign3A_13 : i32
    %sign3A_15 = arith.extui %sign3A_14 : i1 to i32
    %sign3A_16 = arith.constant 0 : i32
    %sign3A_17 = arith.cmpi slt, %jit3A, %sign3A_16 : i32
    %sign3A_18 = arith.extui %sign3A_17 : i1 to i32
    %sign3A_19 = arith.subi %sign3A_15, %sign3A_18 : i32
    %ne3A = arith.cmpi ne, %sign3A_12, %sign3A_19 : i32
    %rem3A = arith.remsi %add3A, %jit3A : i32
    %ne3A_20 = arith.constant 0 : i32
    %ne3A_21 = arith.cmpi ne, %rem3A, %ne3A_20 : i32
    %and3A = arith.andi %ne3A, %ne3A_21 : i1
    %sub3A = arith.constant 1 : i32
    %sub3A_22 = arith.subi %div3A, %sub3A : i32
    %select_n3A = arith.select %and3A, %sub3A_22, %div3A : i32
    %jit3A_23 = arith.constant 4 : i32
    %eq3A = arith.constant 0 : i32
    %eq3A_24 = arith.cmpi eq, %jit3A_23, %eq3A : i32
    %jit3A_25 = arith.constant 1 : i32
    %select_n3A_26 = arith.select %eq3A_24, %jit3A_25, %jit3A_23 : i32
    %rem3A_27 = arith.remsi %add3A, %select_n3A_26 : i32
    %ne3A_28 = arith.constant 0 : i32
    %ne3A_29 = arith.cmpi ne, %rem3A_27, %ne3A_28 : i32
    %lt3A = arith.constant 0 : i32
    %lt3A_30 = arith.cmpi slt, %rem3A_27, %lt3A : i32
    %lt3A_31 = arith.constant 0 : i32
    %lt3A_32 = arith.cmpi slt, %select_n3A_26, %lt3A_31 : i32
    %ne3A_33 = arith.xori %lt3A_30, %lt3A_32 : i1
    %and3A_34 = arith.andi %ne3A_33, %ne3A_29 : i1
    %add3A_35 = arith.addi %rem3A_27, %select_n3A_26 : i32
    %select_n3A_36 = arith.select %and3A_34, %add3A_35, %rem3A_27 : i32
    %mul3A_37 = arith.constant 56 : i32
    %mul3A_38 = arith.muli %select_n3A_36, %mul3A_37 : i32
    "tpu.region"() ({
      %run_scoped3A = tpu.sem_alloc : memref<!tpu.dma_semaphore, #tpu.memory_space<semaphore_mem>>
      %dma_start3A_47 = arith.constant 0 : i32
      %dma_start3A_48 = arith.constant 0 : i32
      %dma_start3A_49 = tpu.memref_slice %arg6[%dma_start3A_47, %dma_start3A_48] : memref<56x256xf32, #tpu.memory_space<vmem>> -> memref<24x256xf32, #tpu.memory_space<vmem>>
      %dma_start3A_50 = arith.constant 0 : i32
      %dma_start3A_51 = tpu.memref_slice %arg4[%select_n3A, %mul3A_38, %dma_start3A_50] : memref<4x196x256xf32, #tpu.memory_space<hbm>> -> memref<1x24x256xf32, #tpu.memory_space<hbm>>
      %dma_start3A_52 = tpu.memref_squeeze %dma_start3A_51 : memref<1x24x256xf32, #tpu.memory_space<hbm>> -> memref<24x256xf32, #tpu.memory_space<hbm>>
      %dma_start3A_53 = arith.constant 0 : i32
      %dma_start3A_54 = tpu.memref_slice %arg4[%select_n3A, %mul3A_38, %dma_start3A_53] : memref<4x196x256xf32, #tpu.memory_space<hbm>> -> memref<1x24x256xf32, #tpu.memory_space<hbm>>
      %dma_start3A_55 = tpu.memref_squeeze %dma_start3A_54 : memref<1x24x256xf32, #tpu.memory_space<hbm>> -> memref<24x256xf32, #tpu.memory_space<hbm>>
      %dma_start3A_56 = arith.constant 0 : i32
      %dma_start3A_57 = arith.constant 0 : i32
      %dma_start3A_58 = tpu.memref_slice %arg6[%dma_start3A_56, %dma_start3A_57] : memref<56x256xf32, #tpu.memory_space<vmem>> -> memref<24x256xf32, #tpu.memory_space<vmem>>
      tpu.enqueue_dma source(%dma_start3A_58 : memref<24x256xf32, #tpu.memory_space<vmem>>) target(%dma_start3A_55 : memref<24x256xf32, #tpu.memory_space<hbm>>) target_semaphore(%run_scoped3A : memref<!tpu.dma_semaphore, #tpu.memory_space<semaphore_mem>>)
      %dma_wait3A_59 = arith.constant 0 : i32
      %dma_wait3A_60 = arith.constant 0 : i32
      %dma_wait3A_61 = tpu.memref_slice %arg6[%dma_wait3A_59, %dma_wait3A_60] : memref<56x256xf32, #tpu.memory_space<vmem>> -> memref<24x256xf32, #tpu.memory_space<vmem>>
      %dma_wait3A_62 = arith.constant 0 : i32
      %dma_wait3A_63 = tpu.memref_slice %arg4[%select_n3A, %mul3A_38, %dma_wait3A_62] : memref<4x196x256xf32, #tpu.memory_space<hbm>> -> memref<1x24x256xf32, #tpu.memory_space<hbm>>
      %dma_wait3A_64 = tpu.memref_squeeze %dma_wait3A_63 : memref<1x24x256xf32, #tpu.memory_space<hbm>> -> memref<24x256xf32, #tpu.memory_space<hbm>>
      %dma_wait3A_65 = arith.constant 0 : i32
      %dma_wait3A_66 = tpu.memref_slice %arg4[%select_n3A, %mul3A_38, %dma_wait3A_65] : memref<4x196x256xf32, #tpu.memory_space<hbm>> -> memref<1x24x256xf32, #tpu.memory_space<hbm>>
      %dma_wait3A_67 = tpu.memref_squeeze %dma_wait3A_66 : memref<1x24x256xf32, #tpu.memory_space<hbm>> -> memref<24x256xf32, #tpu.memory_space<hbm>>
      %dma_wait3A_68 = arith.constant 0 : i32
      %dma_wait3A_69 = arith.constant 0 : i32
      %dma_wait3A_70 = tpu.memref_slice %arg6[%dma_wait3A_68, %dma_wait3A_69] : memref<56x256xf32, #tpu.memory_space<vmem>> -> memref<24x256xf32, #tpu.memory_space<vmem>>
      tpu.wait_dma2 semaphore(%run_scoped3A : memref<!tpu.dma_semaphore, #tpu.memory_space<semaphore_mem>>) src(%dma_wait3A_70 : memref<24x256xf32, #tpu.memory_space<vmem>>) dst(%dma_wait3A_67 : memref<24x256xf32, #tpu.memory_space<hbm>>)
      tpu.yield
    }) : () -> ()
    %lt3A_39 = arith.constant 3 : i32
    %lt3A_40 = arith.cmpi slt, %select_n3A_36, %lt3A_39 : i32
    %convert_element_type3A = arith.extui %lt3A_40 : i1 to i32
    %cond3A = arith.constant 0 : i32
    %cond3A_41 = arith.cmpi ne, %convert_element_type3A, %cond3A : i32
    scf.if %cond3A_41 {
      %add3A_47 = arith.constant 24 : i32
      %add3A_48 = arith.addi %mul3A_38, %add3A_47 : i32
      "tpu.region"() ({
        %run_scoped3A = tpu.sem_alloc : memref<!tpu.dma_semaphore, #tpu.memory_space<semaphore_mem>>
        %dma_start3A_49 = arith.constant 24 : i32
        %dma_start3A_50 = arith.constant 0 : i32
        %dma_start3A_51 = tpu.memref_slice %arg6[%dma_start3A_49, %dma_start3A_50] : memref<56x256xf32, #tpu.memory_space<vmem>> -> memref<32x256xf32, #tpu.memory_space<vmem>>
        %dma_start3A_52 = arith.constant 0 : i32
        %dma_start3A_53 = tpu.memref_slice %arg4[%select_n3A, %add3A_48, %dma_start3A_52] : memref<4x196x256xf32, #tpu.memory_space<hbm>> -> memref<1x32x256xf32, #tpu.memory_space<hbm>>
        %dma_start3A_54 = tpu.memref_squeeze %dma_start3A_53 : memref<1x32x256xf32, #tpu.memory_space<hbm>> -> memref<32x256xf32, #tpu.memory_space<hbm>>
        %dma_start3A_55 = arith.constant 0 : i32
        %dma_start3A_56 = tpu.memref_slice %arg4[%select_n3A, %add3A_48, %dma_start3A_55] : memref<4x196x256xf32, #tpu.memory_space<hbm>> -> memref<1x32x256xf32, #tpu.memory_space<hbm>>
        %dma_start3A_57 = tpu.memref_squeeze %dma_start3A_56 : memref<1x32x256xf32, #tpu.memory_space<hbm>> -> memref<32x256xf32, #tpu.memory_space<hbm>>
        %dma_start3A_58 = arith.constant 24 : i32
        %dma_start3A_59 = arith.constant 0 : i32
        %dma_start3A_60 = tpu.memref_slice %arg6[%dma_start3A_58, %dma_start3A_59] : memref<56x256xf32, #tpu.memory_space<vmem>> -> memref<32x256xf32, #tpu.memory_space<vmem>>
        tpu.enqueue_dma source(%dma_start3A_60 : memref<32x256xf32, #tpu.memory_space<vmem>>) target(%dma_start3A_57 : memref<32x256xf32, #tpu.memory_space<hbm>>) target_semaphore(%run_scoped3A : memref<!tpu.dma_semaphore, #tpu.memory_space<semaphore_mem>>)
        %dma_wait3A_61 = arith.constant 24 : i32
        %dma_wait3A_62 = arith.constant 0 : i32
        %dma_wait3A_63 = tpu.memref_slice %arg6[%dma_wait3A_61, %dma_wait3A_62] : memref<56x256xf32, #tpu.memory_space<vmem>> -> memref<32x256xf32, #tpu.memory_space<vmem>>
        %dma_wait3A_64 = arith.constant 0 : i32
        %dma_wait3A_65 = tpu.memref_slice %arg4[%select_n3A, %add3A_48, %dma_wait3A_64] : memref<4x196x256xf32, #tpu.memory_space<hbm>> -> memref<1x32x256xf32, #tpu.memory_space<hbm>>
        %dma_wait3A_66 = tpu.memref_squeeze %dma_wait3A_65 : memref<1x32x256xf32, #tpu.memory_space<hbm>> -> memref<32x256xf32, #tpu.memory_space<hbm>>
        %dma_wait3A_67 = arith.constant 0 : i32
        %dma_wait3A_68 = tpu.memref_slice %arg4[%select_n3A, %add3A_48, %dma_wait3A_67] : memref<4x196x256xf32, #tpu.memory_space<hbm>> -> memref<1x32x256xf32, #tpu.memory_space<hbm>>
        %dma_wait3A_69 = tpu.memref_squeeze %dma_wait3A_68 : memref<1x32x256xf32, #tpu.memory_space<hbm>> -> memref<32x256xf32, #tpu.memory_space<hbm>>
        %dma_wait3A_70 = arith.constant 24 : i32
        %dma_wait3A_71 = arith.constant 0 : i32
        %dma_wait3A_72 = tpu.memref_slice %arg6[%dma_wait3A_70, %dma_wait3A_71] : memref<56x256xf32, #tpu.memory_space<vmem>> -> memref<32x256xf32, #tpu.memory_space<vmem>>
        tpu.wait_dma2 semaphore(%run_scoped3A : memref<!tpu.dma_semaphore, #tpu.memory_space<semaphore_mem>>) src(%dma_wait3A_72 : memref<32x256xf32, #tpu.memory_space<vmem>>) dst(%dma_wait3A_69 : memref<32x256xf32, #tpu.memory_space<hbm>>)
        tpu.yield
      }) : () -> ()
    } else {
    }
    %eq3A_42 = arith.constant 3 : i32
    %eq3A_43 = arith.cmpi eq, %select_n3A_36, %eq3A_42 : i32
    %convert_element_type3A_44 = arith.extui %eq3A_43 : i1 to i32
    %cond3A_45 = arith.constant 0 : i32
    %cond3A_46 = arith.cmpi ne, %convert_element_type3A_44, %cond3A_45 : i32
    scf.if %cond3A_46 {
      "tpu.region"() ({
        %run_scoped3A = tpu.sem_alloc : memref<!tpu.dma_semaphore, #tpu.memory_space<semaphore_mem>>
        %dma_start3A_47 = arith.constant 24 : i32
        %dma_start3A_48 = arith.constant 0 : i32
        %dma_start3A_49 = tpu.memref_slice %arg6[%dma_start3A_47, %dma_start3A_48] : memref<56x256xf32, #tpu.memory_space<vmem>> -> memref<4x256xf32, #tpu.memory_space<vmem>>
        %dma_start3A_50 = arith.constant 192 : i32
        %dma_start3A_51 = arith.constant 0 : i32
        %dma_start3A_52 = tpu.memref_slice %arg4[%select_n3A, %dma_start3A_50, %dma_start3A_51] : memref<4x196x256xf32, #tpu.memory_space<hbm>> -> memref<1x4x256xf32, #tpu.memory_space<hbm>>
        %dma_start3A_53 = tpu.memref_squeeze %dma_start3A_52 : memref<1x4x256xf32, #tpu.memory_space<hbm>> -> memref<4x256xf32, #tpu.memory_space<hbm>>
        %dma_start3A_54 = arith.constant 192 : i32
        %dma_start3A_55 = arith.constant 0 : i32
        %dma_start3A_56 = tpu.memref_slice %arg4[%select_n3A, %dma_start3A_54, %dma_start3A_55] : memref<4x196x256xf32, #tpu.memory_space<hbm>> -> memref<1x4x256xf32, #tpu.memory_space<hbm>>
        %dma_start3A_57 = tpu.memref_squeeze %dma_start3A_56 : memref<1x4x256xf32, #tpu.memory_space<hbm>> -> memref<4x256xf32, #tpu.memory_space<hbm>>
        %dma_start3A_58 = arith.constant 24 : i32
        %dma_start3A_59 = arith.constant 0 : i32
        %dma_start3A_60 = tpu.memref_slice %arg6[%dma_start3A_58, %dma_start3A_59] : memref<56x256xf32, #tpu.memory_space<vmem>> -> memref<4x256xf32, #tpu.memory_space<vmem>>
        tpu.enqueue_dma source(%dma_start3A_60 : memref<4x256xf32, #tpu.memory_space<vmem>>) target(%dma_start3A_57 : memref<4x256xf32, #tpu.memory_space<hbm>>) target_semaphore(%run_scoped3A : memref<!tpu.dma_semaphore, #tpu.memory_space<semaphore_mem>>)
        %dma_wait3A_61 = arith.constant 24 : i32
        %dma_wait3A_62 = arith.constant 0 : i32
        %dma_wait3A_63 = tpu.memref_slice %arg6[%dma_wait3A_61, %dma_wait3A_62] : memref<56x256xf32, #tpu.memory_space<vmem>> -> memref<4x256xf32, #tpu.memory_space<vmem>>
        %dma_wait3A_64 = arith.constant 192 : i32
        %dma_wait3A_65 = arith.constant 0 : i32
        %dma_wait3A_66 = tpu.memref_slice %arg4[%select_n3A, %dma_wait3A_64, %dma_wait3A_65] : memref<4x196x256xf32, #tpu.memory_space<hbm>> -> memref<1x4x256xf32, #tpu.memory_space<hbm>>
        %dma_wait3A_67 = tpu.memref_squeeze %dma_wait3A_66 : memref<1x4x256xf32, #tpu.memory_space<hbm>> -> memref<4x256xf32, #tpu.memory_space<hbm>>
        %dma_wait3A_68 = arith.constant 192 : i32
        %dma_wait3A_69 = arith.constant 0 : i32
        %dma_wait3A_70 = tpu.memref_slice %arg4[%select_n3A, %dma_wait3A_68, %dma_wait3A_69] : memref<4x196x256xf32, #tpu.memory_space<hbm>> -> memref<1x4x256xf32, #tpu.memory_space<hbm>>
        %dma_wait3A_71 = tpu.memref_squeeze %dma_wait3A_70 : memref<1x4x256xf32, #tpu.memory_space<hbm>> -> memref<4x256xf32, #tpu.memory_space<hbm>>
        %dma_wait3A_72 = arith.constant 24 : i32
        %dma_wait3A_73 = arith.constant 0 : i32
        %dma_wait3A_74 = tpu.memref_slice %arg6[%dma_wait3A_72, %dma_wait3A_73] : memref<56x256xf32, #tpu.memory_space<vmem>> -> memref<4x256xf32, #tpu.memory_space<vmem>>
        tpu.wait_dma2 semaphore(%run_scoped3A : memref<!tpu.dma_semaphore, #tpu.memory_space<semaphore_mem>>) src(%dma_wait3A_74 : memref<4x256xf32, #tpu.memory_space<vmem>>) dst(%dma_wait3A_71 : memref<4x256xf32, #tpu.memory_space<hbm>>)
        tpu.yield
      }) : () -> ()
    } else {
    }
    return
  }
}

module attributes {stable_mosaic.version = 14 : i64} {
  func.func @_scores_body(%arg0: memref<4x256x196xf32, #tpu.memory_space<vmem>>, %arg1: memref<512x256xf32, #tpu.memory_space<vmem>>, %arg2: memref<896xi32, #tpu.memory_space<vmem>>, %arg3: memref<1x1xf32, #tpu.memory_space<smem>>) attributes {dimension_semantics = [], scalar_prefetch = 0 : i64, scratch_operands = 0 : i64, tpu.core_type = #tpu.core_type<tc>} {
    %get3A = arith.constant 0 : index
    %get3A_0 = arith.constant 0 : index
    %get3A_1 = vector.load %arg1[%get3A, %get3A_0] : memref<512x256xf32, #tpu.memory_space<vmem>>, vector<512x256xf32>
    %mul3A = arith.mulf %get3A_1, %get3A_1 : vector<512x256xf32>
    %reduce_sum3A = arith.constant dense<0.000000e+00> : vector<512xf32>
    %reduce_sum3A_2 = vector.multi_reduction <add>, %mul3A, %reduce_sum3A [1] : vector<512x256xf32> to vector<512xf32>
    %broadcast_in_dim3A = vector.shape_cast %reduce_sum3A_2 : vector<512xf32> to vector<512x1xf32>
    %iota3A = tpu.iota {dimensions = array<i32: 1>} : vector<1x224xi32>
    %lt3A = arith.constant 196 : i32
    %lt3A_3 = vector.broadcast %lt3A : i32 to vector<1x224xi32>
    %lt3A_4 = arith.cmpi slt, %iota3A, %lt3A_3 : vector<1x224xi32>
    %get3A_5 = arith.constant 0 : index
    %get3A_6 = arith.constant 0 : index
    %get3A_7 = arith.constant 0 : index
    %get3A_8 = vector.load %arg0[%get3A_5, %get3A_6, %get3A_7] : memref<4x256x196xf32, #tpu.memory_space<vmem>>, vector<1x256x196xf32>
    %get3A_9 = vector.shape_cast %get3A_8 : vector<1x256x196xf32> to vector<256x196xf32>
    %broadcast_in_dim3A_10 = arith.constant 0.000000e+00 : f32
    %broadcast_in_dim3A_11 = vector.broadcast %broadcast_in_dim3A_10 : f32 to vector<256x28xf32>
    %concatenate3A = tpu.concatenate %get3A_9, %broadcast_in_dim3A_11 in 1 : vector<256x196xf32>, vector<256x28xf32> -> vector<256x224xf32>
    %dot_general3A = arith.constant dense<0.000000e+00> : vector<512x224xf32>
    %dot_general3A_12 = tpu.matmul %get3A_1, %concatenate3A, %dot_general3A {dimension_numbers = #tpu.dot_dimension_numbers<[1], [0], [0], [1], [0, 0, 1, 1], [], []>, precision = #tpu.contract_precision<fp32>, transpose_lhs_hint = false} : vector<512x256xf32>, vector<256x224xf32>, vector<512x224xf32> -> vector<512x224xf32>
    %mul3A_13 = arith.constant 2.000000e+00 : f32
    %mul3A_14 = vector.broadcast %mul3A_13 : f32 to vector<512x224xf32>
    %mul3A_15 = arith.mulf %mul3A_14, %dot_general3A_12 : vector<512x224xf32>
    %sub3A = vector.broadcast %broadcast_in_dim3A : vector<512x1xf32> to vector<512x224xf32>
    %sub3A_16 = arith.subf %sub3A, %mul3A_15 : vector<512x224xf32>
    %reduce_min3A = arith.constant dense<0x7F800000> : vector<224xf32>
    %reduce_min3A_17 = vector.multi_reduction <minimumf>, %sub3A_16, %reduce_min3A [0] : vector<512x224xf32> to vector<224xf32>
    %broadcast_in_dim3A_18 = vector.shape_cast %reduce_min3A_17 : vector<224xf32> to vector<1x224xf32>
    %iota3A_19 = tpu.iota {dimensions = array<i32: 0>} : vector<512x224xi32>
    %eq3A = vector.broadcast %broadcast_in_dim3A_18 : vector<1x224xf32> to vector<512x224xf32>
    %eq3A_20 = arith.cmpf oeq, %sub3A_16, %eq3A : vector<512x224xf32>
    %jit3A = arith.constant 512 : i32
    %broadcast_in_dim3A_21 = vector.broadcast %jit3A : i32 to vector<512x224xi32>
    %select_n3A = arith.select %eq3A_20, %iota3A_19, %broadcast_in_dim3A_21 : vector<512x224xi1>, vector<512x224xi32>
    %reduce_min3A_22 = arith.constant dense<2147483647> : vector<224xi32>
    %reduce_min3A_23 = vector.multi_reduction <minsi>, %select_n3A, %reduce_min3A_22 [0] : vector<512x224xi32> to vector<224xi32>
    %broadcast_in_dim3A_24 = vector.shape_cast %reduce_min3A_23 : vector<224xi32> to vector<1x224xi32>
    %mul3A_25 = arith.mulf %concatenate3A, %concatenate3A : vector<256x224xf32>
    %reduce_sum3A_26 = arith.constant dense<0.000000e+00> : vector<224xf32>
    %reduce_sum3A_27 = vector.multi_reduction <add>, %mul3A_25, %reduce_sum3A_26 [0] : vector<256x224xf32> to vector<224xf32>
    %broadcast_in_dim3A_28 = vector.shape_cast %reduce_sum3A_27 : vector<224xf32> to vector<1x224xf32>
    %add3A = arith.addf %broadcast_in_dim3A_28, %broadcast_in_dim3A_18 : vector<1x224xf32>
    %jit3A_29 = arith.constant 0.000000e+00 : f32
    %broadcast_in_dim3A_30 = vector.broadcast %jit3A_29 : f32 to vector<1x224xf32>
    %select_n3A_31 = arith.select %lt3A_4, %add3A, %broadcast_in_dim3A_30 : vector<1x224xi1>, vector<1x224xf32>
    %reduce_sum3A_32 = vector.shape_cast %select_n3A_31 : vector<1x224xf32> to vector<1x1x224xf32>
    %reduce_sum3A_33 = arith.constant dense<0.000000e+00> : vector<1xf32>
    %reduce_sum3A_34 = vector.multi_reduction <add>, %reduce_sum3A_32, %reduce_sum3A_33 [1, 2] : vector<1x1x224xf32> to vector<1xf32>
    %reduce_sum3A_35 = vector.shape_cast %reduce_sum3A_34 : vector<1xf32> to vector<1x1x1xf32>
    %reduce_sum3A_36 = vector.extract %reduce_sum3A_35[0, 0, 0] : f32 from vector<1x1x1xf32>
    %add3A_37 = arith.constant 0.000000e+00 : f32
    %add3A_38 = arith.addf %add3A_37, %reduce_sum3A_36 : f32
    %squeeze3A = vector.shape_cast %broadcast_in_dim3A_24 : vector<1x224xi32> to vector<224xi32>
    %swap3A = arith.constant 0 : index
    %swap3A_39 = vector.load %arg2[%swap3A] : memref<896xi32, #tpu.memory_space<vmem>>, vector<224xi32>
    tpu.vector_store %arg2[%swap3A], %squeeze3A {strides = array<i32>} : memref<896xi32, #tpu.memory_space<vmem>>, vector<224xi32>,
    %get3A_40 = arith.constant 1 : index
    %get3A_41 = arith.constant 0 : index
    %get3A_42 = arith.constant 0 : index
    %get3A_43 = vector.load %arg0[%get3A_40, %get3A_41, %get3A_42] : memref<4x256x196xf32, #tpu.memory_space<vmem>>, vector<1x256x196xf32>
    %get3A_44 = vector.shape_cast %get3A_43 : vector<1x256x196xf32> to vector<256x196xf32>
    %broadcast_in_dim3A_45 = arith.constant 0.000000e+00 : f32
    %broadcast_in_dim3A_46 = vector.broadcast %broadcast_in_dim3A_45 : f32 to vector<256x28xf32>
    %concatenate3A_47 = tpu.concatenate %get3A_44, %broadcast_in_dim3A_46 in 1 : vector<256x196xf32>, vector<256x28xf32> -> vector<256x224xf32>
    %dot_general3A_48 = arith.constant dense<0.000000e+00> : vector<512x224xf32>
    %dot_general3A_49 = tpu.matmul %get3A_1, %concatenate3A_47, %dot_general3A_48 {dimension_numbers = #tpu.dot_dimension_numbers<[1], [0], [0], [1], [0, 0, 1, 1], [], []>, precision = #tpu.contract_precision<fp32>, transpose_lhs_hint = false} : vector<512x256xf32>, vector<256x224xf32>, vector<512x224xf32> -> vector<512x224xf32>
    %mul3A_50 = arith.constant 2.000000e+00 : f32
    %mul3A_51 = vector.broadcast %mul3A_50 : f32 to vector<512x224xf32>
    %mul3A_52 = arith.mulf %mul3A_51, %dot_general3A_49 : vector<512x224xf32>
    %sub3A_53 = vector.broadcast %broadcast_in_dim3A : vector<512x1xf32> to vector<512x224xf32>
    %sub3A_54 = arith.subf %sub3A_53, %mul3A_52 : vector<512x224xf32>
    %reduce_min3A_55 = arith.constant dense<0x7F800000> : vector<224xf32>
    %reduce_min3A_56 = vector.multi_reduction <minimumf>, %sub3A_54, %reduce_min3A_55 [0] : vector<512x224xf32> to vector<224xf32>
    %broadcast_in_dim3A_57 = vector.shape_cast %reduce_min3A_56 : vector<224xf32> to vector<1x224xf32>
    %iota3A_58 = tpu.iota {dimensions = array<i32: 0>} : vector<512x224xi32>
    %eq3A_59 = vector.broadcast %broadcast_in_dim3A_57 : vector<1x224xf32> to vector<512x224xf32>
    %eq3A_60 = arith.cmpf oeq, %sub3A_54, %eq3A_59 : vector<512x224xf32>
    %jit3A_61 = arith.constant 512 : i32
    %broadcast_in_dim3A_62 = vector.broadcast %jit3A_61 : i32 to vector<512x224xi32>
    %select_n3A_63 = arith.select %eq3A_60, %iota3A_58, %broadcast_in_dim3A_62 : vector<512x224xi1>, vector<512x224xi32>
    %reduce_min3A_64 = arith.constant dense<2147483647> : vector<224xi32>
    %reduce_min3A_65 = vector.multi_reduction <minsi>, %select_n3A_63, %reduce_min3A_64 [0] : vector<512x224xi32> to vector<224xi32>
    %broadcast_in_dim3A_66 = vector.shape_cast %reduce_min3A_65 : vector<224xi32> to vector<1x224xi32>
    %mul3A_67 = arith.mulf %concatenate3A_47, %concatenate3A_47 : vector<256x224xf32>
    %reduce_sum3A_68 = arith.constant dense<0.000000e+00> : vector<224xf32>
    %reduce_sum3A_69 = vector.multi_reduction <add>, %mul3A_67, %reduce_sum3A_68 [0] : vector<256x224xf32> to vector<224xf32>
    %broadcast_in_dim3A_70 = vector.shape_cast %reduce_sum3A_69 : vector<224xf32> to vector<1x224xf32>
    %add3A_71 = arith.addf %broadcast_in_dim3A_70, %broadcast_in_dim3A_57 : vector<1x224xf32>
    %jit3A_72 = arith.constant 0.000000e+00 : f32
    %broadcast_in_dim3A_73 = vector.broadcast %jit3A_72 : f32 to vector<1x224xf32>
    %select_n3A_74 = arith.select %lt3A_4, %add3A_71, %broadcast_in_dim3A_73 : vector<1x224xi1>, vector<1x224xf32>
    %reduce_sum3A_75 = vector.shape_cast %select_n3A_74 : vector<1x224xf32> to vector<1x1x224xf32>
    %reduce_sum3A_76 = arith.constant dense<0.000000e+00> : vector<1xf32>
    %reduce_sum3A_77 = vector.multi_reduction <add>, %reduce_sum3A_75, %reduce_sum3A_76 [1, 2] : vector<1x1x224xf32> to vector<1xf32>
    %reduce_sum3A_78 = vector.shape_cast %reduce_sum3A_77 : vector<1xf32> to vector<1x1x1xf32>
    %reduce_sum3A_79 = vector.extract %reduce_sum3A_78[0, 0, 0] : f32 from vector<1x1x1xf32>
    %add3A_80 = arith.addf %add3A_38, %reduce_sum3A_79 : f32
    %squeeze3A_81 = vector.shape_cast %broadcast_in_dim3A_66 : vector<1x224xi32> to vector<224xi32>
    %swap3A_82 = arith.constant 224 : index
    %swap3A_83 = vector.load %arg2[%swap3A_82] : memref<896xi32, #tpu.memory_space<vmem>>, vector<224xi32>
    tpu.vector_store %arg2[%swap3A_82], %squeeze3A_81 {strides = array<i32>} : memref<896xi32, #tpu.memory_space<vmem>>, vector<224xi32>,
    %get3A_84 = arith.constant 2 : index
    %get3A_85 = arith.constant 0 : index
    %get3A_86 = arith.constant 0 : index
    %get3A_87 = vector.load %arg0[%get3A_84, %get3A_85, %get3A_86] : memref<4x256x196xf32, #tpu.memory_space<vmem>>, vector<1x256x196xf32>
    %get3A_88 = vector.shape_cast %get3A_87 : vector<1x256x196xf32> to vector<256x196xf32>
    %broadcast_in_dim3A_89 = arith.constant 0.000000e+00 : f32
    %broadcast_in_dim3A_90 = vector.broadcast %broadcast_in_dim3A_89 : f32 to vector<256x28xf32>
    %concatenate3A_91 = tpu.concatenate %get3A_88, %broadcast_in_dim3A_90 in 1 : vector<256x196xf32>, vector<256x28xf32> -> vector<256x224xf32>
    %dot_general3A_92 = arith.constant dense<0.000000e+00> : vector<512x224xf32>
    %dot_general3A_93 = tpu.matmul %get3A_1, %concatenate3A_91, %dot_general3A_92 {dimension_numbers = #tpu.dot_dimension_numbers<[1], [0], [0], [1], [0, 0, 1, 1], [], []>, precision = #tpu.contract_precision<fp32>, transpose_lhs_hint = false} : vector<512x256xf32>, vector<256x224xf32>, vector<512x224xf32> -> vector<512x224xf32>
    %mul3A_94 = arith.constant 2.000000e+00 : f32
    %mul3A_95 = vector.broadcast %mul3A_94 : f32 to vector<512x224xf32>
    %mul3A_96 = arith.mulf %mul3A_95, %dot_general3A_93 : vector<512x224xf32>
    %sub3A_97 = vector.broadcast %broadcast_in_dim3A : vector<512x1xf32> to vector<512x224xf32>
    %sub3A_98 = arith.subf %sub3A_97, %mul3A_96 : vector<512x224xf32>
    %reduce_min3A_99 = arith.constant dense<0x7F800000> : vector<224xf32>
    %reduce_min3A_100 = vector.multi_reduction <minimumf>, %sub3A_98, %reduce_min3A_99 [0] : vector<512x224xf32> to vector<224xf32>
    %broadcast_in_dim3A_101 = vector.shape_cast %reduce_min3A_100 : vector<224xf32> to vector<1x224xf32>
    %iota3A_102 = tpu.iota {dimensions = array<i32: 0>} : vector<512x224xi32>
    %eq3A_103 = vector.broadcast %broadcast_in_dim3A_101 : vector<1x224xf32> to vector<512x224xf32>
    %eq3A_104 = arith.cmpf oeq, %sub3A_98, %eq3A_103 : vector<512x224xf32>
    %jit3A_105 = arith.constant 512 : i32
    %broadcast_in_dim3A_106 = vector.broadcast %jit3A_105 : i32 to vector<512x224xi32>
    %select_n3A_107 = arith.select %eq3A_104, %iota3A_102, %broadcast_in_dim3A_106 : vector<512x224xi1>, vector<512x224xi32>
    %reduce_min3A_108 = arith.constant dense<2147483647> : vector<224xi32>
    %reduce_min3A_109 = vector.multi_reduction <minsi>, %select_n3A_107, %reduce_min3A_108 [0] : vector<512x224xi32> to vector<224xi32>
    %broadcast_in_dim3A_110 = vector.shape_cast %reduce_min3A_109 : vector<224xi32> to vector<1x224xi32>
    %mul3A_111 = arith.mulf %concatenate3A_91, %concatenate3A_91 : vector<256x224xf32>
    %reduce_sum3A_112 = arith.constant dense<0.000000e+00> : vector<224xf32>
    %reduce_sum3A_113 = vector.multi_reduction <add>, %mul3A_111, %reduce_sum3A_112 [0] : vector<256x224xf32> to vector<224xf32>
    %broadcast_in_dim3A_114 = vector.shape_cast %reduce_sum3A_113 : vector<224xf32> to vector<1x224xf32>
    %add3A_115 = arith.addf %broadcast_in_dim3A_114, %broadcast_in_dim3A_101 : vector<1x224xf32>
    %jit3A_116 = arith.constant 0.000000e+00 : f32
    %broadcast_in_dim3A_117 = vector.broadcast %jit3A_116 : f32 to vector<1x224xf32>
    %select_n3A_118 = arith.select %lt3A_4, %add3A_115, %broadcast_in_dim3A_117 : vector<1x224xi1>, vector<1x224xf32>
    %reduce_sum3A_119 = vector.shape_cast %select_n3A_118 : vector<1x224xf32> to vector<1x1x224xf32>
    %reduce_sum3A_120 = arith.constant dense<0.000000e+00> : vector<1xf32>
    %reduce_sum3A_121 = vector.multi_reduction <add>, %reduce_sum3A_119, %reduce_sum3A_120 [1, 2] : vector<1x1x224xf32> to vector<1xf32>
    %reduce_sum3A_122 = vector.shape_cast %reduce_sum3A_121 : vector<1xf32> to vector<1x1x1xf32>
    %reduce_sum3A_123 = vector.extract %reduce_sum3A_122[0, 0, 0] : f32 from vector<1x1x1xf32>
    %add3A_124 = arith.addf %add3A_80, %reduce_sum3A_123 : f32
    %squeeze3A_125 = vector.shape_cast %broadcast_in_dim3A_110 : vector<1x224xi32> to vector<224xi32>
    %swap3A_126 = arith.constant 448 : index
    %swap3A_127 = vector.load %arg2[%swap3A_126] : memref<896xi32, #tpu.memory_space<vmem>>, vector<224xi32>
    tpu.vector_store %arg2[%swap3A_126], %squeeze3A_125 {strides = array<i32>} : memref<896xi32, #tpu.memory_space<vmem>>, vector<224xi32>,
    %get3A_128 = arith.constant 3 : index
    %get3A_129 = arith.constant 0 : index
    %get3A_130 = arith.constant 0 : index
    %get3A_131 = vector.load %arg0[%get3A_128, %get3A_129, %get3A_130] : memref<4x256x196xf32, #tpu.memory_space<vmem>>, vector<1x256x196xf32>
    %get3A_132 = vector.shape_cast %get3A_131 : vector<1x256x196xf32> to vector<256x196xf32>
    %broadcast_in_dim3A_133 = arith.constant 0.000000e+00 : f32
    %broadcast_in_dim3A_134 = vector.broadcast %broadcast_in_dim3A_133 : f32 to vector<256x28xf32>
    %concatenate3A_135 = tpu.concatenate %get3A_132, %broadcast_in_dim3A_134 in 1 : vector<256x196xf32>, vector<256x28xf32> -> vector<256x224xf32>
    %dot_general3A_136 = arith.constant dense<0.000000e+00> : vector<512x224xf32>
    %dot_general3A_137 = tpu.matmul %get3A_1, %concatenate3A_135, %dot_general3A_136 {dimension_numbers = #tpu.dot_dimension_numbers<[1], [0], [0], [1], [0, 0, 1, 1], [], []>, precision = #tpu.contract_precision<fp32>, transpose_lhs_hint = false} : vector<512x256xf32>, vector<256x224xf32>, vector<512x224xf32> -> vector<512x224xf32>
    %mul3A_138 = arith.constant 2.000000e+00 : f32
    %mul3A_139 = vector.broadcast %mul3A_138 : f32 to vector<512x224xf32>
    %mul3A_140 = arith.mulf %mul3A_139, %dot_general3A_137 : vector<512x224xf32>
    %sub3A_141 = vector.broadcast %broadcast_in_dim3A : vector<512x1xf32> to vector<512x224xf32>
    %sub3A_142 = arith.subf %sub3A_141, %mul3A_140 : vector<512x224xf32>
    %reduce_min3A_143 = arith.constant dense<0x7F800000> : vector<224xf32>
    %reduce_min3A_144 = vector.multi_reduction <minimumf>, %sub3A_142, %reduce_min3A_143 [0] : vector<512x224xf32> to vector<224xf32>
    %broadcast_in_dim3A_145 = vector.shape_cast %reduce_min3A_144 : vector<224xf32> to vector<1x224xf32>
    %iota3A_146 = tpu.iota {dimensions = array<i32: 0>} : vector<512x224xi32>
    %eq3A_147 = vector.broadcast %broadcast_in_dim3A_145 : vector<1x224xf32> to vector<512x224xf32>
    %eq3A_148 = arith.cmpf oeq, %sub3A_142, %eq3A_147 : vector<512x224xf32>
    %jit3A_149 = arith.constant 512 : i32
    %broadcast_in_dim3A_150 = vector.broadcast %jit3A_149 : i32 to vector<512x224xi32>
    %select_n3A_151 = arith.select %eq3A_148, %iota3A_146, %broadcast_in_dim3A_150 : vector<512x224xi1>, vector<512x224xi32>
    %reduce_min3A_152 = arith.constant dense<2147483647> : vector<224xi32>
    %reduce_min3A_153 = vector.multi_reduction <minsi>, %select_n3A_151, %reduce_min3A_152 [0] : vector<512x224xi32> to vector<224xi32>
    %broadcast_in_dim3A_154 = vector.shape_cast %reduce_min3A_153 : vector<224xi32> to vector<1x224xi32>
    %mul3A_155 = arith.mulf %concatenate3A_135, %concatenate3A_135 : vector<256x224xf32>
    %reduce_sum3A_156 = arith.constant dense<0.000000e+00> : vector<224xf32>
    %reduce_sum3A_157 = vector.multi_reduction <add>, %mul3A_155, %reduce_sum3A_156 [0] : vector<256x224xf32> to vector<224xf32>
    %broadcast_in_dim3A_158 = vector.shape_cast %reduce_sum3A_157 : vector<224xf32> to vector<1x224xf32>
    %add3A_159 = arith.addf %broadcast_in_dim3A_158, %broadcast_in_dim3A_145 : vector<1x224xf32>
    %jit3A_160 = arith.constant 0.000000e+00 : f32
    %broadcast_in_dim3A_161 = vector.broadcast %jit3A_160 : f32 to vector<1x224xf32>
    %select_n3A_162 = arith.select %lt3A_4, %add3A_159, %broadcast_in_dim3A_161 : vector<1x224xi1>, vector<1x224xf32>
    %reduce_sum3A_163 = vector.shape_cast %select_n3A_162 : vector<1x224xf32> to vector<1x1x224xf32>
    %reduce_sum3A_164 = arith.constant dense<0.000000e+00> : vector<1xf32>
    %reduce_sum3A_165 = vector.multi_reduction <add>, %reduce_sum3A_163, %reduce_sum3A_164 [1, 2] : vector<1x1x224xf32> to vector<1xf32>
    %reduce_sum3A_166 = vector.shape_cast %reduce_sum3A_165 : vector<1xf32> to vector<1x1x1xf32>
    %reduce_sum3A_167 = vector.extract %reduce_sum3A_166[0, 0, 0] : f32 from vector<1x1x1xf32>
    %add3A_168 = arith.addf %add3A_124, %reduce_sum3A_167 : f32
    %squeeze3A_169 = vector.shape_cast %broadcast_in_dim3A_154 : vector<1x224xi32> to vector<224xi32>
    %swap3A_170 = arith.constant 672 : index
    %swap3A_171 = vector.load %arg2[%swap3A_170] : memref<896xi32, #tpu.memory_space<vmem>>, vector<224xi32>
    tpu.vector_store %arg2[%swap3A_170], %squeeze3A_169 {strides = array<i32>} : memref<896xi32, #tpu.memory_space<vmem>>, vector<224xi32>,
    %mul3A_172 = arith.constant 4.98246163E-6 : f32
    %mul3A_173 = arith.mulf %add3A_168, %mul3A_172 : f32
    %swap3A_174 = arith.constant 0 : index
    %swap3A_175 = arith.constant 0 : index
    %swap3A_176 = memref.load %arg3[%swap3A_174, %swap3A_175] : memref<1x1xf32, #tpu.memory_space<smem>>
    memref.store %mul3A_173, %arg3[%swap3A_174, %swap3A_175] : memref<1x1xf32, #tpu.memory_space<smem>>
    return
  }
}

</mosaic_0001>

<sc_bundles>
// kernel: kernel.4.cloned.1.call-start
scs
__scs_entry_jumppad:
0x0: {  	(pc) =	sbr.rel $0x88, $3  }
0x1: {  	(tag) =	ssettag $0x0;
	lr =	simm.s32 $0x1  }
0x2: {  	[smem:$0x3F9F] =	sst lr;
	_ =	strace $0xD0000000  }
0x3: {  	_ = 	snop  }
0x4: {  	_ = 	snop  }
0x5: {  	_ = 	snop  }
0x6: {  	_ = 	snop  }
0x7: {  	_ = 	snop  }
__scs_overlays_trampoline_lowered:
0x8: {  	[smem:$0x3FAE] =	sst s0  }
0x9: {  	[smem:$0x3FAF] =	sst s1  }
0xa: {  	[smem:$0x3FB0] =	sst s2  }
0xb: {  	[smem:$0x3FB1] =	sst s3  }
0xc: {  	[smem:$0x3FB2] =	sst s4  }
0xd: {  	[smem:$0x3FB3] =	sst s5  }
0xe: {  	[smem:$0x3FB4] =	sst s6  }
0xf: {  	[smem:$0x3FB5] =	sst s7  }
0x10: {  	[smem:$0x3FB6] =	sst s8  }
0x11: {  	[smem:$0x3FB7] =	sst s9;
	s0 =	simm.s32 @!p0 $0x0  }
0x12: {  	s1 =	sld [smem:$0x3F9D];
	s0 =	simm.s32 @p0 $0x1  }
0x13: {  	[smem:$0x3FB8] =	sst s0;
	s0 =	simm.s32 @!p1 $0x0  }
0x14: {  	s2 =	sld [smem:$0x3F9C];
	s0 =	simm.s32 @p1 $0x1  }
0x15: {  	[smem:$0x3FB9] =	sst s0;
	s0 =	simm.s32 @!p2 $0x0  }
0x16: {  	s3 =	sld [smem:$0x3FDB];
	s0 =	simm.s32 @p2 $0x1  }
0x17: {  	s4 =	simm.s32 $0x1BF5;
	[smem:$0x3FBB] =	sst s0  }
0x18: {  	s0 =	sld [smem:$0x3F9E];
	_ =	swait.ge [sflag:s4], $0x0  }
0x19: {  	s7 =	sld [smem:$0x3F9F]  }
0x1a: {  	s8 =	sadd.s32 $0xFFFFE003, lr  }
0x1b: {  	s9 =	sadd.s32 $0xFFFFFEF7, lr;
	s5 =	simm.s32 $0xFFFFFFFF;
	p2 =	slt.u32 s8, $0xFFFFF086  }
0x1c: {  	p1 =	slt.u32 s9, $0xF7A;
	s5 =	simm.s32 @!p2 $0x0  }
0x1d: {  	s5 =	simm.s32 @p1 $0x1;
	p0 =	seq.s32 s7, s2  }
0x1e: {  	s7 =	smul.u32 @!p0 $0xF7A, s2;
	p2 =	seq.s32 @!p0 s5, $0x0  }
0x1f: {  	s9 =	smul.u32 $0xF7A, s1;
	s8 =	simm.s32 @!p0 $0x1BF5;
	p2 =	por !p2, p0  }
0x20: {  	[sflag:s8] =	ssyncset.s32 @!p0 $0xFFFFF086;
	s6 =	sadd.s32 @!p0 s3, s7;
	s7 =	simm.s32 @!p0 $0x108  }
0x21: {  	s3 =	sadd.s32 s3, s9;
	s6 =	sadd.s32 @!p0 $0x88, s6;
	s7 =	simm.s32 @p2 $0x1082  }
0x22: {  	[simem:s7], [sflag:s8] =	dma.local @!p0 [hbm:s6], $0xF7A  }
0x23: {  	s9 =	sor.u32 $0xD0000000, s2;
	s6 =	simm.s32 $0x108;
	_ =	swait.ge @!p0 [sflag:s8], $0x0  }
0x24: {  	s3 =	sadd.s32 $0x88, s3;
	s6 =	simm.s32 @!p1 $0x1082;
	[sflag:s4] =	ssyncset.s32 $0xFFFFF086  }
0x25: {  	[simem:s6], [sflag:s4] =	dma.local [hbm:s3], $0xF7A  }
0x26: {  	[smem:$0x3F9F] =	sst s1;
	(tag) =	ssettag s2;
	_ =	strace s9  }
0x27: {  	s1 =	sld [smem:$0x3FAF]  }
0x28: {  	s2 =	sld [smem:$0x3FB0]  }
0x29: {  	s4 =	sld [smem:$0x3FB2]  }
0x2a: {  	p0 =	seq.s32 s5, $0x0;
	s5 =	sld [smem:$0x3FB3]  }
0x2b: {  	s6 =	sld [smem:$0x3FB4]  }
0x2c: {  	s7 =	sld [smem:$0x3FB5]  }
0x2d: {  	s3 =	simm.s32 $0x108;
	s8 =	sld [smem:$0x3FB6]  }
0x2e: {  	s3 =	simm.s32 @!p0 $0x1082;
	s9 =	sld [smem:$0x3FB7]  }
0x2f: {  	lr =	sadd.s32 s0, s3;
	s0 =	sld [smem:$0x3FAE]  }
0x30: {  	s3 =	sld [smem:$0x3FB1]  }
0x31: {  	[smem:$0x3FBA] =	sst s10  }
0x32: {  	s10 =	sld [smem:$0x3FB8];
	_ =	sdelay $0x3  }
0x33: {  	p0 =	seq.s32 s10, $0x1;
	s10 =	sld [smem:$0x3FBA];
	_ =	sdelay $0x3  }
0x34: {  	[smem:$0x3FBA] =	sst s10  }
0x35: {  	s10 =	sld [smem:$0x3FB9];
	_ =	sdelay $0x3  }
0x36: {  	p1 =	seq.s32 s10, $0x1;
	s10 =	sld [smem:$0x3FBA];
	_ =	sdelay $0x3  }
0x37: {  	[smem:$0x3FBA] =	sst s10  }
0x38: {  	s10 =	sld [smem:$0x3FBB]  }
0x39: {  	_ = 	snop;
	(pc) =	sbr.ind lr, $3  }
0x3a: {  	_ = 	snop  }
0x3b: {  	_ = 	snop  }
0x3c: {  	p2 =	seq.s32 s10, $0x1;
	s10 =	sld [smem:$0x3FBA]  }
0x3d: {  	_ =	shalt  }
0x3e: {  	_ =	shalt  }
0x3f: {  	_ =	shalt  }
0x40: {  	_ =	shalt  }
0x41: {  	_ =	shalt  }
0x42: {  	_ =	shalt  }
0x43: {  	_ =	shalt  }
0x44: {  	_ =	shalt  }
0x45: {  	_ =	shalt  }
0x46: {  	_ =	shalt  }
0x47: {  	_ =	shalt  }
0x48: {  	_ =	shalt  }
0x49: {  	_ =	shalt  }
0x4a: {  	_ =	shalt  }
0x4b: {  	_ =	shalt  }
0x4c: {  	_ =	shalt  }
0x4d: {  	_ =	shalt  }
0x4e: {  	_ =	shalt  }
0x4f: {  	_ =	shalt  }
0x50: {  	_ =	shalt  }
0x51: {  	_ =	shalt  }
0x52: {  	_ =	shalt  }
0x53: {  	_ =	shalt  }
0x54: {  	_ =	shalt  }
0x55: {  	_ =	shalt  }
0x56: {  	_ =	shalt  }
0x57: {  	_ =	shalt  }
0x58: {  	_ =	shalt  }
0x59: {  	_ =	shalt  }
0x5a: {  	_ =	shalt  }
0x5b: {  	_ =	shalt  }
0x5c: {  	_ =	shalt  }
0x5d: {  	_ =	shalt  }
0x5e: {  	_ =	shalt  }
0x5f: {  	_ =	shalt  }
0x60: {  	_ =	shalt  }
0x61: {  	_ =	shalt  }
0x62: {  	_ =	shalt  }
0x63: {  	_ =	shalt  }
0x64: {  	_ =	shalt  }
0x65: {  	_ =	shalt  }
0x66: {  	_ =	shalt  }
0x67: {  	_ =	shalt  }
0x68: {  	_ =	shalt  }
0x69: {  	_ =	shalt  }
0x6a: {  	_ =	shalt  }
0x6b: {  	_ =	shalt  }
0x6c: {  	_ =	shalt  }
0x6d: {  	_ =	shalt  }
0x6e: {  	_ =	shalt  }
0x6f: {  	_ =	shalt  }
0x70: {  	_ =	shalt  }
0x71: {  	_ =	shalt  }
0x72: {  	_ =	shalt  }
0x73: {  	_ =	shalt  }
0x74: {  	_ =	shalt  }
0x75: {  	_ =	shalt  }
0x76: {  	_ =	shalt  }
0x77: {  	_ =	shalt  }
0x78: {  	_ =	shalt  }
0x79: {  	_ =	shalt  }
0x7a: {  	_ =	shalt  }
0x7b: {  	_ =	shalt  }
0x7c: {  	_ =	shalt  }
0x7d: {  	_ =	shalt  }
0x7e: {  	_ =	shalt  }
0x7f: {  	_ =	shalt  }
0x80: {  	_ =	shalt  }
0x81: {  	_ =	shalt  }
0x82: {  	_ =	shalt  }
0x83: {  	_ =	shalt  }
0x84: {  	_ =	shalt  }
0x85: {  	_ =	shalt  }
0x86: {  	_ =	shalt  }
0x87: {  	_ =	shalt  }
.Lfunc_end0:
.L_simem_size_0:
called_computation_lowered:
.L_overlay_start_0:
0x88: {  	s0 =	sld [smem:$0x3FD9]  }
0x89: {  	s1 =	sld [smem:$0x3FFE];
	_ =	sdelay $0x3  }
0x8a: {  	s0 =	sadd.s32 s1, s0  }
0x8b: {  	[smem:$0x3FC6] =	sst s0  }
0x8c: {  	_ = 	snop  }
0x8d: {  	s0 =	sld [smem:$0x3FD0];
	_ =	sdelay $0x2  }
0x8e: {  	s2 =	simm.s32 $0xA;
	s3 =	simm.s32 $0x10;
	s13 =	sld [smem:$0x3FC8]  }
0x8f: {  	[smem:s3], [sflag:s2] =	dma.local [hbm:s0], $0x1  }
0x90: {  	_ =	swait.eq [sflag:s2], $0x1  }
0x91: {  	[sflag:s2] =	ssyncset.done $0x0  }
0x92: {  	[sflag:s2] =	ssyncadd.s32 $0xFFFFFFFF  }
0x93: {  	s14 =	sld [smem:$0x10];
	(tm) =	ssettm $0x1  }
0x94: {  	s15 =	sld [smem:$0x3FFB];
	_ =	sdelay $0x3  }
0x95: {  	_ =	strace s15  }
0x96: {  	s2 =	sld [smem:$0x3FFC];
	_ =	sdelay $0x3  }
0x97: {  	_ =	strace s2  }
0x98: {  	s2 =	sld [smem:$0x3FFD];
	_ =	sdelay $0x3  }
0x99: {  	_ =	strace s2  }
0x9a: {  	_ =	strace $0x8FFFFFFF  }
0x9b: {  	s16 =	sld [smem:$0x3FDB];
	_ =	sdelay $0x1  }
0x9c: {  	s17 =	simm.s32 $_scs_section_size  }
0x9d: {  	s4 =	simm.s32 $_size__tile_overlayer_lowered;
	s5 =	simm.s32 $_tile_overlayer_lowered  }
0x9e: {  	s20 =	simm.s32 $0x1BFF;
	s19 =	sshll.u32 s5, $0x1;
	s2 =	sadd.s32 s17, s16  }
0x9f: {  	s6 =	simm.s32 $0x0;
	s18 =	sshll.u32 s4, $0x1;
	s4 =	sadd.s32 s19, s2  }
0xa0: {  	[timem:s6], [sflag:s20] =	dma.local [hbm:s4], s18  }
0xa1: {  	_ =	swait.ge [sflag:s20], s18  }
0xa2: {  	s3 =	ssub.s32 $0x0, s18;
	[sflag:s20] =	ssyncset.done $0x0  }
0xa3: {  	[sflag:s20] =	ssyncadd.s32 s3;
	_ =	sdelay $0x1  }
0xa4: {  	s21 =	simm.s32 $0x1B8B  }
0xa5: {  	_ =	swait.ge [sflag:s21], $0x1  }
0xa6: {  	[sflag:s21] =	ssyncset.done $0x0  }
0xa7: {  	s23 =	simm.s32 $0x1B8E;
	s22 =	sld [smem:$0x3FFE];
	[sflag:s21] =	ssyncadd.s32 $0xFFFFFFFF  }
0xa8: {  	s24 =	simm.s32 $execute0_lowered;
	[smem:$0x3FD2] =	sst s23  }
0xa9: {  	s4 =	sshll.u32 s24, $0x1;
	_ =	strace $0x80000046;
	[dreg:$0x1] =	wrdreg $0xFFFFFFFF  }
0xaa: {  	s25 =	simm.s32 $_size_execute0_lowered;
	s2 =	sadd.s32 s2, s4;
	[dreg:$0x0] =	wrdreg $0x0  }
0xab: {  	s4 =	sshll.u32 s25, $0x1;
	[dreg:$0x2] =	wrdreg s2  }
0xac: {  	[dreg:$0x3] =	wrdreg s4  }
0xad: {  	[dreg:$0x4] =	wrdreg $0xC0  }
0xae: {  	_ =	task [dreg:s6], $0x5FFFF  }
0xaf: {  	[dreg:$0x1] =	wrdreg $0xFFFFFFFF  }
0xb0: {  	[dreg:$0x0] =	wrdreg $0x60  }
0xb1: {  	[dreg:$0x2] =	wrdreg s13  }
0xb2: {  	[dreg:$0x3] =	wrdreg s14  }
0xb3: {  	[dreg:$0x4] =	wrdreg s22  }
0xb4: {  	[dreg:$0x5] =	wrdreg $0x9  }
0xb5: {  	_ =	task.clear_ibuf [dreg:s6], $0x6FFFF;
	_ =	strace $0x90000046  }
0xb6: {  	s26 =	simm.s32 $0x9;
	_ =	strace $0x80000048  }
0xb7: {  	_ =	swait.ge [sflag:s26], $0x1  }
0xb8: {  	[sflag:s26] =	ssyncadd.s32 $0xFFFFFFFF  }
0xb9: {  	_ =	strace $0x90000048  }
0xba: {  	_ =	sfence  }
0xbb: {  	s28 =	sld [smem:$0x0];
	_ =	sdelay $0x1  }
0xbc: {  	s29 =	srdreg.scid  }
0xbd: {  	s30 =	sshll.u32 s29, $0xD;
	s31 =	sshrl.u32 s29, $0x2  }
0xbe: {  	s1 =	sand.u32 $0x1, s29;
	s2 =	sand.u32 $0x4000, s30;
	s0 =	sadd.s32 s31, s28  }
0xbf: {  	s1 =	sor.u32 s2, s1;
	s0 =	sshll.u32 s0, $0x11  }
0xc0: {  	s0 =	sor.u32 s0, s1  }
0xc1: {  	s0 =	sadd.s32 $0x8F2B, s0  }
0xc2: {  	[sflag:s0] =	ssyncadd.remote.s32 $0x1  }
0xc3: {  	_ =	sfence.sel $0xFFFF  }
0xc4: {  	[dreg:$0x0] =	wrdreg $0xFFFFFFFF;
	(pc) =	sbr.abs _section_cstart, $3  }
0xc5: {  	[dreg:$0x1] =	wrdreg $0xFFFFFFFF  }
0xc6: {  	_ =	task.clear_ibuf [dreg:s6], $0x2FFFF;
	_ =	strace $0x9FFFFFFF  }
0xc7: {  	(tm) =	ssettm $0x7FFFFFFF  }
tec
execute0_lowered:
.L_overlay_start_1:
0x0: {  	(tag) =	ssettag $0x1  }
0x1: {  	s5 =	rddreg [dreg:$0x0]  }
0x2: {  	s3 =	rddreg [dreg:$0x1]  }
0x3: {  	s4 =	rddreg [dreg:$0x2];
	s1 =	stileid.u32  }
0x4: {  	s0 =	rddreg [dreg:$0x3];
	s2 =	simm.s32 $0x0;
	s6 =	smul.u32 $0x7, s1  }
0x5: {  	[smem:$0x7FF] =	sst s2  }
0x6: {  	s22 =	simm.s32 $0x2;
	_ =	strace $0x80000047;
	s3 =	sadd.s32 s3, s6  }
0x7: {  	[tilespmem:s2], [sflag:$0x2] =	stream.linear.gather [hbm4b:s3+s2], $0x38, $0x38;
	[tilespmem:$0x3880] =	vst v63  }
0x8: {  	_ =	swait.ge [sflag:s22], $0x38  }
0x9: {  	[sflag:s22] =	ssyncset.done $0x0  }
0xa: {  	[sflag:s22] =	ssyncadd.s32 $0xFFFFFFC8  }
0xb: {  	v0 =	vld [tilespmem:$0x0];
	_ =	sdelay $0x4  }
0xc: {  	v1 =	vshll.u32 v0, $0x1  }
0xd: {  	v2 =	vlaneseq.u32;
	v0 =	vand.u32 $0x7, v0;
	v1 =	vand.u32 $0xFFFFFFF0, v1  }
0xe: {  	v60 =	vand.u32 $0x7, v2;
	v3 =	vshrl.u32 v2, $0x3;
	v0 =	vor.u32 v0, v1  }
0xf: {  	v3 =	vmul.u32 $0x8, v3;
	v4 =	vperm.xlane v0, v60  }
0x10: {  	v2 =	vor.u32 $0x8, v2  }
0x11: {  	v0 =	vperm.xlane v0, v2;
	v4 =	vadd.s32 v3, v4;
	_ =	sdelay $0x1  }
0x12: {  	v0 =	vadd.s32 v3, v0;
	_ =	sdelay $0x1  }
0x13: {  	vm0 =	vmmov $0xffff;
	s23 =	simm.s32 $0x80  }
0x14: {  	[tilespmem:s23], [sflag:$0x1] =	stream.indirect_vreg.gather [hbm4b:s5+s2], $0x80, v4, vm0, $0xb8;
	[tilespmem:$0x3880] =	vst v63  }
0x15: {  	s7 =	simm.s32 $0x880  }
0x16: {  	[tilespmem:s7], [sflag:$0x1] =	stream.indirect_vreg.gather [hbm4b:s5+s2], $0x80, v0, vm0, $0xb8;
	[tilespmem:$0x3880] =	vst v63  }
0x17: {  	v0 =	vld [tilespmem:$0x10];
	_ =	sdelay $0x4  }
0x18: {  	v61 =	vshll.u32 v0, $0x1  }
0x19: {  	v0 =	vand.u32 $0x7, v0;
	v4 =	vand.u32 $0xFFFFFFF0, v61  }
0x1a: {  	v0 =	vor.u32 v0, v4  }
0x1b: {  	v4 =	vperm.xlane v0, v60;
	_ =	sdelay $0x1  }
0x1c: {  	v0 =	vperm.xlane v0, v2;
	v4 =	vadd.s32 v3, v4;
	_ =	sdelay $0x1  }
0x1d: {  	v0 =	vadd.s32 v3, v0;
	_ =	sdelay $0x1  }
0x1e: {  	s24 =	simm.s32 $0x1080  }
0x1f: {  	[tilespmem:s24], [sflag:$0x1] =	stream.indirect_vreg.gather [hbm4b:s5+s2], $0x80, v4, vm0, $0xb8;
	[tilespmem:$0x3880] =	vst v63  }
0x20: {  	s25 =	simm.s32 $0x1880  }
0x21: {  	[tilespmem:s25], [sflag:$0x1] =	stream.indirect_vreg.gather [hbm4b:s5+s2], $0x80, v0, vm0, $0xb8;
	[tilespmem:$0x3880] =	vst v63  }
0x22: {  	v0 =	vld [tilespmem:$0x20];
	_ =	sdelay $0x4  }
0x23: {  	v62 =	vshll.u32 v0, $0x1  }
0x24: {  	v0 =	vand.u32 $0x7, v0;
	v4 =	vand.u32 $0xFFFFFFF0, v62  }
0x25: {  	v0 =	vor.u32 v0, v4  }
0x26: {  	v4 =	vperm.xlane v0, v60;
	_ =	sdelay $0x1  }
0x27: {  	v0 =	vperm.xlane v0, v2;
	v4 =	vadd.s32 v3, v4;
	_ =	sdelay $0x1  }
0x28: {  	v0 =	vadd.s32 v3, v0;
	_ =	sdelay $0x1  }
0x29: {  	s26 =	simm.s32 $0x2080  }
0x2a: {  	[tilespmem:s26], [sflag:$0x1] =	stream.indirect_vreg.gather [hbm4b:s5+s2], $0x80, v4, vm0, $0xb8;
	[tilespmem:$0x3880] =	vst v63  }
0x2b: {  	s28 =	simm.s32 $0x2880  }
0x2c: {  	[tilespmem:s28], [sflag:$0x1] =	stream.indirect_vreg.gather [hbm4b:s5+s2], $0x80, v0, vm0, $0xb8;
	[tilespmem:$0x3880] =	vst v63  }
0x2d: {  	v0 =	vld.msk [tilespmem:$0x30], $0xff;
	_ =	sdelay $0x4  }
0x2e: {  	v63 =	vshll.u32 v0, $0x1  }
0x2f: {  	v0 =	vand.u32 $0x7, v0;
	v2 =	vand.u32 $0xFFFFFFF0, v63  }
0x30: {  	v0 =	vor.u32 v0, v2  }
0x31: {  	v0 =	vperm.xlane v0, v60;
	_ =	sdelay $0x1  }
0x32: {  	v0 =	vadd.s32 v3, v0;
	_ =	sdelay $0x1  }
0x33: {  	s8 =	sand.u32 $0x3, s1  }
0x34: {  	s29 =	sshrl.u32 s1, $0x2;
	s9 =	smul.u32 $0x3800, s8  }
0x35: {  	s10 =	simm.s32 $0x3080;
	s30 =	simm.s32 $0x1;
	s7 =	smul.u32 $0xC800, s29  }
0x36: {  	[tilespmem:s10], [sflag:$0x1] =	stream.indirect_vreg.gather [hbm4b:s5+s2], $0x80, v0, vm0, $0xb8;
	[tilespmem:$0x3880] =	vst v63  }
0x37: {  	s9 =	sadd.s32 s9, s7;
	_ =	swait.ge [sflag:s30], $0x3800  }
0x38: {  	s4 =	sadd.s32 $0xA00, s4;
	s31 =	sshrl.u32 s9, $0x3;
	[sflag:s30] =	ssyncset.done $0x0  }
0x39: {  	p0 =	seq.s32 s8, $0x3;
	s10 =	sadd.s32 s4, s31;
	[sflag:s30] =	ssyncadd.s32 $0xFFFFC800  }
0x3a: {  	[hbm4b:s10+s2] =	stream.linear.scatter [tilespmem:s23], [sflag:$0x2], $0x1800, $0x38;
	[tilespmem:$0x3880] =	vst v63  }
0x3b: {  	s2 =	sshrl.u32 @p0 s7, $0x3;
	_ =	swait.ge [sflag:s22], $0x1800  }
0x3c: {  	s6 =	simm.s32 @p0 $0x1880;
	s2 =	sadd.s32 @p0 s4, s2;
	[sflag:s22] =	ssyncset.done $0x0  }
0x3d: {  	s5 =	simm.s32 @p0 $0x0;
	s3 =	sadd.s32 @p0 $0x1800, s2;
	[sflag:s22] =	ssyncadd.s32 $0xFFFFE800  }
0x3e: {  	[hbm4b:s3+s5] =	stream.linear.scatter @p0 [tilespmem:s6], [sflag:$0x2], $0x200, $0x38;
	[tilespmem:$0x3880] =	vst v63  }
0x3f: {  	s2 =	sadd.s32 @p0 $0x1880, s2;
	s3 =	simm.s32 @p0 $0x1C80  }
0x40: {  	[hbm4b:s2+s5] =	stream.linear.scatter @p0 [tilespmem:s3], [sflag:$0x2], $0x200, $0x38;
	[tilespmem:$0x3880] =	vst v63  }
0x41: {  	s2 =	simm.s32 @p0 $0x2  }
0x42: {  	_ =	swait.ge @p0 [sflag:s2], $0x400  }
0x43: {  	s3 =	sshrl.u32 @!p0 s9, $0x3;
	[sflag:s2] =	ssyncset.done @p0 $0x0  }
0x44: {  	[sflag:s2] =	ssyncadd.s32 @p0 $0xFFFFFC00;
	s2 =	sadd.s32 @!p0 s4, s3  }
0x45: {  	s3 =	simm.s32 @!p0 $0x0;
	s4 =	simm.s32 @!p0 $0x1880;
	s2 =	sadd.s32 @!p0 $0x300, s2  }
0x46: {  	[hbm4b:s2+s3] =	stream.linear.scatter @!p0 [tilespmem:s4], [sflag:$0x2], $0x2000, $0x38;
	[tilespmem:$0x3880] =	vst v63  }
0x47: {  	s2 =	simm.s32 @!p0 $0x2  }
0x48: {  	_ =	swait.ge @!p0 [sflag:s2], $0x2000  }
0x49: {  	[sflag:s2] =	ssyncset.done @!p0 $0x0  }
0x4a: {  	[sflag:s2] =	ssyncadd.s32 @!p0 $0xFFFFE000  }
0x4b: {  	_ =	sfence.sel $0x180000  }
0x4c: {  	[bflag:$0x0] =	sbarrier.arrive $0xFFFF  }
0x4d: {  	p0 =	sne.s32 s1, $0x0;
	_ =	strace $0x90000047  }
0x4e: {  	s0 =	sadd.s32 @!p0 $0x100000, s0;
	[bflag:$0x2] =	sbarrier.arrive $0xFFFF  }
0x4f: {  	[sflag:s0] =	ssyncadd.tile.s32 @!p0 $0x1;
	_ =	shalt  }
.Lfunc_end2:
_tile_overlayer_lowered:
.L_overlay_start_2:
0x50: {  	(tag) =	ssettag $0x2  }
0x51: {  	s0 =	rddreg [dreg:$0x0];
	s2 =	stileid.u32  }
0x52: {  	s1 =	rddreg [dreg:$0x1];
	p0 =	sne.s32 s2, $0x0  }
0x53: {  	s3 =	rddreg [dreg:$0x2];
	[bflag:$0x3] =	sbarrier.arrive $0xFFFF;
	s2 =	simm.s32 @!p0 $0x1C02  }
0x54: {  	[timem:s3], [sflag:s2] =	dma.local @!p0 [hbm:s0], s1  }
0x55: {  	s0 =	simm.s32 @!p0 $0x2  }
0x56: {  	_ =	swait.ge @!p0 [sflag:s0], s1  }
0x57: {  	s1 =	ssub.s32 @!p0 $0x0, s1;
	[sflag:s0] =	ssyncset.done @!p0 $0x0  }
0x58: {  	[sflag:s0] =	ssyncadd.s32 @!p0 s1  }
0x59: {  	[bflag:$0x3] =	sbarrier.arrive $0xFFFF  }
0x5a: {  	_ =	shalt  }

</sc_bundles>
